<compile_context>
chip_gen: v7x
topology: tpu7x:2x2x1
jax: 0.10.2.dev20260603
libtpu: 0.0.44.dev20260713+nightly
codegen_flags: <defaults>
</compile_context>

<pallas_src>
import functools

import jax
import jax.numpy as jnp
from jax import lax
from jax.experimental import pallas as pl
from jax.experimental.pallas import tpu as pltpu
from jax.experimental.pallas import tpu_sc as plsc

_VOCAB = 100000
_EMBED = 128
_TRAIN = 10000
_FIXED = _VOCAB - _TRAIN

_LANES = 16
_NC = 2
_NS = 16
_NW = _NC * _NS

_K = 128

_CROWS = 10000


def _concat_tables(fixed3, train3):
    nf = fixed3.shape[0]
    nt = train3.shape[0]
    grid = nf + nt
    rows = fixed3.shape[1]

    def body(f_ref, t_ref, o_ref):
        i = pl.program_id(0)

        @pl.when(i < nf)
        def _():
            o_ref[...] = f_ref[0]

        @pl.when(i >= nf)
        def _():
            o_ref[...] = t_ref[0]

    return pl.pallas_call(
        body,
        grid=(grid,),
        in_specs=[
            pl.BlockSpec((1, rows, _EMBED), lambda i: (jnp.minimum(i, nf - 1), 0, 0)),
            pl.BlockSpec((1, rows, _EMBED), lambda i: (jnp.maximum(i - nf, 0), 0, 0)),
        ],
        out_specs=pl.BlockSpec((rows, _EMBED), lambda i: (i, 0)),
        out_shape=jax.ShapeDtypeStruct((grid * rows, _EMBED), jnp.float32),
    )(fixed3, train3)


_NBUF = 5
_DEPTH = 4

_TPAD = 64


def _sc_gather(table, ids_flat):
    batch = ids_flat.shape[0]
    rows_per_w = batch // _NW
    n_chunks = rows_per_w // _K
    mesh = plsc.VectorSubcoreMesh(core_axis_name="c", subcore_axis_name="s")

    @functools.partial(
        pl.kernel,
        mesh=mesh,
        out_type=jax.ShapeDtypeStruct((batch // _K, _K, _EMBED), jnp.float32),
        scratch_types=[
            pltpu.VMEM((rows_per_w,), jnp.int32),
            pltpu.VMEM((n_chunks, _K), jnp.int32),
        ]
        + [pltpu.VMEM((_K, _EMBED), jnp.float32) for _ in range(_NBUF)]
        + [pltpu.SemaphoreType.DMA for _ in range(_NBUF)],
        compiler_params=pltpu.CompilerParams(use_tc_tiling_on_sc=True),
    )
    def k(table_hbm, ids_hbm, out_hbm, idx_raw, idx2, *rest):
        bufs = rest[:_NBUF]
        sems = rest[_NBUF:]
        wid = lax.axis_index("s") * _NC + lax.axis_index("c")
        cbase = wid * n_chunks

        pltpu.sync_copy(ids_hbm.at[pl.ds(wid * rows_per_w, rows_per_w)], idx_raw)

        def clip_pack(g, carry):
            r = g // (_K // _LANES)
            j = g % (_K // _LANES)
            v = idx_raw[pl.ds(g * _LANES, _LANES)]
            idx2.at[r][pl.ds(j * _LANES, _LANES)] = jnp.clip(v, 0, _VOCAB - 1)
            return carry

        lax.fori_loop(0, rows_per_w // _LANES, clip_pack, 0)

        def fire(c, buf, sem):
            pltpu.async_copy(table_hbm.at[idx2.at[c]], buf, sem)

        def drain(c, buf, sem):
            pltpu.make_async_copy(table_hbm.at[idx2.at[c]], buf, sem).wait()

        for t in range(_DEPTH):
            fire(t, bufs[t], sems[t])

        def group(m, carry):
            for b in range(_NBUF):
                c = m * _NBUF + b
                cn = jnp.minimum(c + _DEPTH, n_chunks - 1)
                bn = (b + _DEPTH) % _NBUF
                drain(c, bufs[b], sems[b])
                fire(cn, bufs[bn], sems[bn])
                pltpu.sync_copy(bufs[b], out_hbm.at[cbase + c])
            return carry

        lax.fori_loop(0, n_chunks // _NBUF, group, 0)

        for t in range(_DEPTH):
            b = (n_chunks + t) % _NBUF
            drain(n_chunks - 1, bufs[b], sems[b])

    return k(table, ids_flat)


def kernel(input_ids, fixed_embedding, train_embedding):
    s0, s1 = input_ids.shape
    fixed3 = fixed_embedding.reshape(_FIXED // _CROWS, _CROWS, _EMBED)
    train3 = train_embedding.reshape(_TRAIN // _CROWS, _CROWS, _EMBED)
    table = _concat_tables(fixed3, train3)
    ids_t = input_ids.T.reshape(-1)
    out3 = _sc_gather(table, ids_t)
    return out3.reshape(s1, s0, _EMBED).transpose(1, 0, 2)

# --- scband reference (transcript-rebuilt; emitter-appended) ---
"""Pipeline reference for scband-split-embedding-36764920054076 (READ-ONLY COPY).

The authoritative reference and input builder live on the scoring server;
editing this copy changes nothing except your own understanding.
"""

import jax, jax.numpy as jnp
import numpy as np

VOCAB = 100000
EMBED = 128
TRAIN = 10000
FIXED = VOCAB - TRAIN


def setup_inputs(seed: int = 0) -> dict:
    key = jax.random.key(seed)
    k1, k2, k3 = jax.random.split(key, 3)
    input_ids = jax.random.randint(k1, (4096, 50), 0, VOCAB, dtype=jnp.int32)
    fixed_embedding = jax.random.normal(k2, (FIXED, EMBED), dtype=jnp.float32) * 0.02
    train_embedding = jax.random.normal(k3, (TRAIN, EMBED), dtype=jnp.float32) * 0.02
    return {
        "input_ids": input_ids,
        "fixed_embedding": fixed_embedding,
        "train_embedding": train_embedding,
    }


def reference(input_ids, fixed_embedding, train_embedding):
    F = fixed_embedding.shape[0]
    T = train_embedding.shape[0]
    fixed_mask = input_ids < F
    # clamp ids into range for each table, matching torch .clamp semantics
    fixed_ids = jnp.clip(input_ids, 0, F - 1)
    train_ids = jnp.clip(input_ids - F, 0, T - 1)
    fixed_vals = jnp.take(fixed_embedding, fixed_ids, axis=0)
    train_vals = jnp.take(train_embedding, train_ids, axis=0)
    # select per-token between fixed and trainable lookups (padding_idx is None
    # for a default nn.Embedding, so no zeroing branch)
    output = jnp.where(fixed_mask[..., None], fixed_vals, train_vals)
    return output

if __name__ == "__main__":
    import jax
    _d = setup_inputs()
    print(jax.jit(kernel)(*tuple(_d.values())))

</pallas_src>

<mosaic_0001>
#map = affine_map<(d0, d1) -> (0, 0)>
#map1 = affine_map<(d0, d1) -> (0)>
#map2 = affine_map<(d0, d1) -> (0, 0, 0)>
module attributes {stable_mosaic.version = 14 : i64} {
  func.func @k(%arg0: i32, %arg1: i32, %arg2: memref<100000x128xf32, #tpu.memory_space<hbm>>, %arg3: memref<204800xi32, #tpu.memory_space<hbm>>, %arg4: memref<1600x128x128xf32, #tpu.memory_space<hbm>>, %arg5: memref<6400xi32, #tpu.memory_space<vmem>>, %arg6: memref<50x128xi32, #tpu.memory_space<vmem>>, %arg7: memref<128x128xf32, #tpu.memory_space<vmem>>, %arg8: memref<128x128xf32, #tpu.memory_space<vmem>>, %arg9: memref<128x128xf32, #tpu.memory_space<vmem>>, %arg10: memref<128x128xf32, #tpu.memory_space<vmem>>, %arg11: memref<128x128xf32, #tpu.memory_space<vmem>>, %arg12: memref<!tpu.dma_semaphore, #tpu.memory_space<semaphore_mem>>, %arg13: memref<!tpu.dma_semaphore, #tpu.memory_space<semaphore_mem>>, %arg14: memref<!tpu.dma_semaphore, #tpu.memory_space<semaphore_mem>>, %arg15: memref<!tpu.dma_semaphore, #tpu.memory_space<semaphore_mem>>, %arg16: memref<!tpu.dma_semaphore, #tpu.memory_space<semaphore_mem>>) attributes {dimension_semantics = [#tpu.dimension_semantics<core_parallel>, #tpu.dimension_semantics<subcore_parallel>], iteration_bounds = array<i64: 2, 16>, scalar_prefetch = 0 : i64, scratch_operands = 12 : i64, tpu.core_type = #tpu.core_type<sc_vector_subcore>, window_params = [{transform_indices = #map}, {transform_indices = #map1}, {transform_indices = #map2}]} {
    %mul3A = arith.constant 2 : i32
    %mul3A_0 = arith.muli %arg1, %mul3A : i32
    %add3A = arith.addi %mul3A_0, %arg0 : i32
    %mul3A_1 = arith.constant 50 : i32
    %mul3A_2 = arith.muli %add3A, %mul3A_1 : i32
    %mul3A_3 = arith.constant 6400 : i32
    %mul3A_4 = arith.muli %add3A, %mul3A_3 : i32
    "tpu.region"() ({
      %run_scoped3A = tpu.sem_alloc : memref<!tpu.dma_semaphore, #tpu.memory_space<semaphore_mem>>
      %dma_start3A_70 = tpu.memref_slice %arg3[%mul3A_4] : memref<204800xi32, #tpu.memory_space<hbm>> -> memref<6400xi32, #tpu.memory_space<hbm>>
      %dma_start3A_71 = tpu.memref_slice %arg3[%mul3A_4] : memref<204800xi32, #tpu.memory_space<hbm>> -> memref<6400xi32, #tpu.memory_space<hbm>>
      tpu.enqueue_dma source(%dma_start3A_71 : memref<6400xi32, #tpu.memory_space<hbm>>) target(%arg5 : memref<6400xi32, #tpu.memory_space<vmem>>) target_semaphore(%run_scoped3A : memref<!tpu.dma_semaphore, #tpu.memory_space<semaphore_mem>>)
      %dma_wait3A_72 = tpu.memref_slice %arg3[%mul3A_4] : memref<204800xi32, #tpu.memory_space<hbm>> -> memref<6400xi32, #tpu.memory_space<hbm>>
      %dma_wait3A_73 = tpu.memref_slice %arg3[%mul3A_4] : memref<204800xi32, #tpu.memory_space<hbm>> -> memref<6400xi32, #tpu.memory_space<hbm>>
      tpu.wait_dma2 semaphore(%run_scoped3A : memref<!tpu.dma_semaphore, #tpu.memory_space<semaphore_mem>>) src(%dma_wait3A_73 : memref<6400xi32, #tpu.memory_space<hbm>>) dst(%arg5 : memref<6400xi32, #tpu.memory_space<vmem>>)
      tpu.yield
    }) : () -> ()
    %scan3A = arith.constant 0 : i32
    %scan3A_5 = arith.constant 0 : i32
    %scan3A_6 = arith.constant 400 : i32
    %scan3A_7 = arith.addi %scan3A_5, %scan3A_6 : i32
    %scan3A_8 = arith.constant 1 : i32
    scf.for %scan3A_70 = %scan3A_5 to %scan3A_7 step %scan3A_8  : i32 {
      %jit3A = arith.constant 8 : i32
      %div3A = arith.divsi %scan3A_70, %jit3A : i32
      %sign3A = arith.constant 0 : i32
      %sign3A_71 = arith.cmpi sgt, %scan3A_70, %sign3A : i32
      %sign3A_72 = arith.extui %sign3A_71 : i1 to i32
      %sign3A_73 = arith.constant 0 : i32
      %sign3A_74 = arith.cmpi slt, %scan3A_70, %sign3A_73 : i32
      %sign3A_75 = arith.extui %sign3A_74 : i1 to i32
      %sign3A_76 = arith.subi %sign3A_72, %sign3A_75 : i32
      %sign3A_77 = arith.constant 0 : i32
      %sign3A_78 = arith.cmpi sgt, %jit3A, %sign3A_77 : i32
      %sign3A_79 = arith.extui %sign3A_78 : i1 to i32
      %sign3A_80 = arith.constant 0 : i32
      %sign3A_81 = arith.cmpi slt, %jit3A, %sign3A_80 : i32
      %sign3A_82 = arith.extui %sign3A_81 : i1 to i32
      %sign3A_83 = arith.subi %sign3A_79, %sign3A_82 : i32
      %ne3A = arith.cmpi ne, %sign3A_76, %sign3A_83 : i32
      %rem3A = arith.remsi %scan3A_70, %jit3A : i32
      %ne3A_84 = arith.constant 0 : i32
      %ne3A_85 = arith.cmpi ne, %rem3A, %ne3A_84 : i32
      %and3A = arith.andi %ne3A, %ne3A_85 : i1
      %sub3A = arith.constant 1 : i32
      %sub3A_86 = arith.subi %div3A, %sub3A : i32
      %select_n3A = arith.select %and3A, %sub3A_86, %div3A : i32
      %jit3A_87 = arith.constant 8 : i32
      %eq3A = arith.constant 0 : i32
      %eq3A_88 = arith.cmpi eq, %jit3A_87, %eq3A : i32
      %jit3A_89 = arith.constant 1 : i32
      %select_n3A_90 = arith.select %eq3A_88, %jit3A_89, %jit3A_87 : i32
      %rem3A_91 = arith.remsi %scan3A_70, %select_n3A_90 : i32
      %ne3A_92 = arith.constant 0 : i32
      %ne3A_93 = arith.cmpi ne, %rem3A_91, %ne3A_92 : i32
      %lt3A = arith.constant 0 : i32
      %lt3A_94 = arith.cmpi slt, %rem3A_91, %lt3A : i32
      %lt3A_95 = arith.constant 0 : i32
      %lt3A_96 = arith.cmpi slt, %select_n3A_90, %lt3A_95 : i32
      %ne3A_97 = arith.xori %lt3A_94, %lt3A_96 : i1
      %and3A_98 = arith.andi %ne3A_97, %ne3A_93 : i1
      %add3A_99 = arith.addi %rem3A_91, %select_n3A_90 : i32
      %select_n3A_100 = arith.select %and3A_98, %add3A_99, %rem3A_91 : i32
      %mul3A_101 = arith.constant 16 : i32
      %mul3A_102 = arith.muli %scan3A_70, %mul3A_101 : i32
      %get3A = arith.index_cast %mul3A_102 : i32 to index
      %get3A_103 = tpu.vector_load %arg5[%get3A] {strides = array<i32>} : memref<6400xi32, #tpu.memory_space<vmem>>, vector<16xi32>,
      %get3A_104 = vector.shape_cast %get3A_103 : vector<16xi32> to vector<16xi32>
      %jit3A_105 = arith.constant 0 : i32
      %jit3A_106 = arith.constant 99999 : i32
      %max3A = vector.broadcast %jit3A_105 : i32 to vector<16xi32>
      %max3A_107 = arith.maxsi %max3A, %get3A_104 : vector<16xi32>
      %min3A = vector.broadcast %jit3A_106 : i32 to vector<16xi32>
      %min3A_108 = arith.minsi %min3A, %max3A_107 : vector<16xi32>
      %mul3A_109 = arith.constant 16 : i32
      %mul3A_110 = arith.muli %select_n3A_100, %mul3A_109 : i32
      %swap3A = arith.constant 0 : i32
      %swap3A_111 = tpu.memref_slice %arg6[%select_n3A, %swap3A] : memref<50x128xi32, #tpu.memory_space<vmem>> -> memref<1x128xi32, #tpu.memory_space<vmem>>
      %swap3A_112 = tpu.memref_squeeze %swap3A_111 : memref<1x128xi32, #tpu.memory_space<vmem>> -> memref<128xi32, #tpu.memory_space<vmem>>
      %swap3A_113 = arith.index_cast %mul3A_110 : i32 to index
      %swap3A_114 = tpu.vector_load %swap3A_112[%swap3A_113] {strides = array<i32>} : memref<128xi32, #tpu.memory_space<vmem>>, vector<16xi32>,
      %swap3A_115 = vector.shape_cast %swap3A_114 : vector<16xi32> to vector<16xi32>
      %swap3A_116 = vector.shape_cast %min3A_108 : vector<16xi32> to vector<16xi32>
      tpu.vector_store %swap3A_112[%swap3A_113], %swap3A_116 {strides = array<i32>} : memref<128xi32, #tpu.memory_space<vmem>>, vector<16xi32>,
    }
    %scan3A_9 = arith.constant 400 : i32
    %dma_start3A = arith.constant 0 : i32
    %dma_start3A_10 = arith.constant 0 : i32
    %dma_start3A_11 = tpu.memref_slice %arg6[%dma_start3A, %dma_start3A_10] : memref<50x128xi32, #tpu.memory_space<vmem>> -> memref<1x128xi32, #tpu.memory_space<vmem>>
    %dma_start3A_12 = tpu.memref_squeeze %dma_start3A_11 : memref<1x128xi32, #tpu.memory_space<vmem>> -> memref<128xi32, #tpu.memory_space<vmem>>
    %dma_start3A_13 = arith.constant 0 : i32
    %dma_start3A_14 = arith.constant 0 : i32
    %dma_start3A_15 = tpu.memref_slice %arg2[%dma_start3A_13, %dma_start3A_14] : memref<100000x128xf32, #tpu.memory_space<hbm>> -> memref<100000x128xf32, #tpu.memory_space<hbm>>
    tpu.enqueue_indirect_dma source(%dma_start3A_15 : memref<100000x128xf32, #tpu.memory_space<hbm>>) target(%arg7 : memref<128x128xf32, #tpu.memory_space<vmem>>) offsets(%dma_start3A_12 : memref<128xi32, #tpu.memory_space<vmem>>) semaphore(%arg12 : memref<!tpu.dma_semaphore, #tpu.memory_space<semaphore_mem>>)
    %dma_start3A_16 = arith.constant 1 : i32
    %dma_start3A_17 = arith.constant 0 : i32
    %dma_start3A_18 = tpu.memref_slice %arg6[%dma_start3A_16, %dma_start3A_17] : memref<50x128xi32, #tpu.memory_space<vmem>> -> memref<1x128xi32, #tpu.memory_space<vmem>>
    %dma_start3A_19 = tpu.memref_squeeze %dma_start3A_18 : memref<1x128xi32, #tpu.memory_space<vmem>> -> memref<128xi32, #tpu.memory_space<vmem>>
    %dma_start3A_20 = arith.constant 0 : i32
    %dma_start3A_21 = arith.constant 0 : i32
    %dma_start3A_22 = tpu.memref_slice %arg2[%dma_start3A_20, %dma_start3A_21] : memref<100000x128xf32, #tpu.memory_space<hbm>> -> memref<100000x128xf32, #tpu.memory_space<hbm>>
    tpu.enqueue_indirect_dma source(%dma_start3A_22 : memref<100000x128xf32, #tpu.memory_space<hbm>>) target(%arg8 : memref<128x128xf32, #tpu.memory_space<vmem>>) offsets(%dma_start3A_19 : memref<128xi32, #tpu.memory_space<vmem>>) semaphore(%arg13 : memref<!tpu.dma_semaphore, #tpu.memory_space<semaphore_mem>>)
    %dma_start3A_23 = arith.constant 2 : i32
    %dma_start3A_24 = arith.constant 0 : i32
    %dma_start3A_25 = tpu.memref_slice %arg6[%dma_start3A_23, %dma_start3A_24] : memref<50x128xi32, #tpu.memory_space<vmem>> -> memref<1x128xi32, #tpu.memory_space<vmem>>
    %dma_start3A_26 = tpu.memref_squeeze %dma_start3A_25 : memref<1x128xi32, #tpu.memory_space<vmem>> -> memref<128xi32, #tpu.memory_space<vmem>>
    %dma_start3A_27 = arith.constant 0 : i32
    %dma_start3A_28 = arith.constant 0 : i32
    %dma_start3A_29 = tpu.memref_slice %arg2[%dma_start3A_27, %dma_start3A_28] : memref<100000x128xf32, #tpu.memory_space<hbm>> -> memref<100000x128xf32, #tpu.memory_space<hbm>>
    tpu.enqueue_indirect_dma source(%dma_start3A_29 : memref<100000x128xf32, #tpu.memory_space<hbm>>) target(%arg9 : memref<128x128xf32, #tpu.memory_space<vmem>>) offsets(%dma_start3A_26 : memref<128xi32, #tpu.memory_space<vmem>>) semaphore(%arg14 : memref<!tpu.dma_semaphore, #tpu.memory_space<semaphore_mem>>)
    %dma_start3A_30 = arith.constant 3 : i32
    %dma_start3A_31 = arith.constant 0 : i32
    %dma_start3A_32 = tpu.memref_slice %arg6[%dma_start3A_30, %dma_start3A_31] : memref<50x128xi32, #tpu.memory_space<vmem>> -> memref<1x128xi32, #tpu.memory_space<vmem>>
    %dma_start3A_33 = tpu.memref_squeeze %dma_start3A_32 : memref<1x128xi32, #tpu.memory_space<vmem>> -> memref<128xi32, #tpu.memory_space<vmem>>
    %dma_start3A_34 = arith.constant 0 : i32
    %dma_start3A_35 = arith.constant 0 : i32
    %dma_start3A_36 = tpu.memref_slice %arg2[%dma_start3A_34, %dma_start3A_35] : memref<100000x128xf32, #tpu.memory_space<hbm>> -> memref<100000x128xf32, #tpu.memory_space<hbm>>
    tpu.enqueue_indirect_dma source(%dma_start3A_36 : memref<100000x128xf32, #tpu.memory_space<hbm>>) target(%arg10 : memref<128x128xf32, #tpu.memory_space<vmem>>) offsets(%dma_start3A_33 : memref<128xi32, #tpu.memory_space<vmem>>) semaphore(%arg15 : memref<!tpu.dma_semaphore, #tpu.memory_space<semaphore_mem>>)
    %scan3A_37 = arith.constant 0 : i32
    %scan3A_38 = arith.constant 0 : i32
    %scan3A_39 = arith.constant 10 : i32
    %scan3A_40 = arith.addi %scan3A_38, %scan3A_39 : i32
    %scan3A_41 = arith.constant 1 : i32
    scf.for %scan3A_70 = %scan3A_38 to %scan3A_40 step %scan3A_41  : i32 {
      %mul3A_71 = arith.constant 5 : i32
      %mul3A_72 = arith.muli %scan3A_70, %mul3A_71 : i32
      %add3A_73 = arith.constant 0 : i32
      %add3A_74 = arith.addi %mul3A_72, %add3A_73 : i32
      %add3A_75 = arith.constant 4 : i32
      %add3A_76 = arith.addi %add3A_74, %add3A_75 : i32
      %min3A = arith.constant 49 : i32
      %min3A_77 = arith.minsi %add3A_76, %min3A : i32
      %dma_wait3A_78 = arith.constant 0 : i32
      %dma_wait3A_79 = tpu.memref_slice %arg6[%add3A_74, %dma_wait3A_78] : memref<50x128xi32, #tpu.memory_space<vmem>> -> memref<1x128xi32, #tpu.memory_space<vmem>>
      %dma_wait3A_80 = tpu.memref_squeeze %dma_wait3A_79 : memref<1x128xi32, #tpu.memory_space<vmem>> -> memref<128xi32, #tpu.memory_space<vmem>>
      %dma_wait3A_81 = arith.constant 0 : i32
      %dma_wait3A_82 = arith.constant 0 : i32
      %dma_wait3A_83 = tpu.memref_slice %arg2[%dma_wait3A_81, %dma_wait3A_82] : memref<100000x128xf32, #tpu.memory_space<hbm>> -> memref<100000x128xf32, #tpu.memory_space<hbm>>
      tpu.wait_indirect_dma semaphore(%arg12 : memref<!tpu.dma_semaphore, #tpu.memory_space<semaphore_mem>>) src(%dma_wait3A_83 : memref<100000x128xf32, #tpu.memory_space<hbm>>) dst(%arg7 : memref<128x128xf32, #tpu.memory_space<vmem>>)
      %dma_start3A_84 = arith.constant 0 : i32
      %dma_start3A_85 = tpu.memref_slice %arg6[%min3A_77, %dma_start3A_84] : memref<50x128xi32, #tpu.memory_space<vmem>> -> memref<1x128xi32, #tpu.memory_space<vmem>>
      %dma_start3A_86 = tpu.memref_squeeze %dma_start3A_85 : memref<1x128xi32, #tpu.memory_space<vmem>> -> memref<128xi32, #tpu.memory_space<vmem>>
      %dma_start3A_87 = arith.constant 0 : i32
      %dma_start3A_88 = arith.constant 0 : i32
      %dma_start3A_89 = tpu.memref_slice %arg2[%dma_start3A_87, %dma_start3A_88] : memref<100000x128xf32, #tpu.memory_space<hbm>> -> memref<100000x128xf32, #tpu.memory_space<hbm>>
      tpu.enqueue_indirect_dma source(%dma_start3A_89 : memref<100000x128xf32, #tpu.memory_space<hbm>>) target(%arg11 : memref<128x128xf32, #tpu.memory_space<vmem>>) offsets(%dma_start3A_86 : memref<128xi32, #tpu.memory_space<vmem>>) semaphore(%arg16 : memref<!tpu.dma_semaphore, #tpu.memory_space<semaphore_mem>>)
      %add3A_90 = arith.addi %mul3A_2, %add3A_74 : i32
      "tpu.region"() ({
        %run_scoped3A = tpu.sem_alloc : memref<!tpu.dma_semaphore, #tpu.memory_space<semaphore_mem>>
        %dma_start3A_175 = arith.constant 0 : i32
        %dma_start3A_176 = arith.constant 0 : i32
        %dma_start3A_177 = tpu.memref_slice %arg4[%add3A_90, %dma_start3A_175, %dma_start3A_176] : memref<1600x128x128xf32, #tpu.memory_space<hbm>> -> memref<1x128x128xf32, #tpu.memory_space<hbm>>
        %dma_start3A_178 = tpu.memref_squeeze %dma_start3A_177 : memref<1x128x128xf32, #tpu.memory_space<hbm>> -> memref<128x128xf32, #tpu.memory_space<hbm>>
        %dma_start3A_179 = arith.constant 0 : i32
        %dma_start3A_180 = arith.constant 0 : i32
        %dma_start3A_181 = tpu.memref_slice %arg4[%add3A_90, %dma_start3A_179, %dma_start3A_180] : memref<1600x128x128xf32, #tpu.memory_space<hbm>> -> memref<1x128x128xf32, #tpu.memory_space<hbm>>
        %dma_start3A_182 = tpu.memref_squeeze %dma_start3A_181 : memref<1x128x128xf32, #tpu.memory_space<hbm>> -> memref<128x128xf32, #tpu.memory_space<hbm>>
        tpu.enqueue_dma source(%arg7 : memref<128x128xf32, #tpu.memory_space<vmem>>) target(%dma_start3A_182 : memref<128x128xf32, #tpu.memory_space<hbm>>) target_semaphore(%run_scoped3A : memref<!tpu.dma_semaphore, #tpu.memory_space<semaphore_mem>>)
        %dma_wait3A_183 = arith.constant 0 : i32
        %dma_wait3A_184 = arith.constant 0 : i32
        %dma_wait3A_185 = tpu.memref_slice %arg4[%add3A_90, %dma_wait3A_183, %dma_wait3A_184] : memref<1600x128x128xf32, #tpu.memory_space<hbm>> -> memref<1x128x128xf32, #tpu.memory_space<hbm>>
        %dma_wait3A_186 = tpu.memref_squeeze %dma_wait3A_185 : memref<1x128x128xf32, #tpu.memory_space<hbm>> -> memref<128x128xf32, #tpu.memory_space<hbm>>
        %dma_wait3A_187 = arith.constant 0 : i32
        %dma_wait3A_188 = arith.constant 0 : i32
        %dma_wait3A_189 = tpu.memref_slice %arg4[%add3A_90, %dma_wait3A_187, %dma_wait3A_188] : memref<1600x128x128xf32, #tpu.memory_space<hbm>> -> memref<1x128x128xf32, #tpu.memory_space<hbm>>
        %dma_wait3A_190 = tpu.memref_squeeze %dma_wait3A_189 : memref<1x128x128xf32, #tpu.memory_space<hbm>> -> memref<128x128xf32, #tpu.memory_space<hbm>>
        tpu.wait_dma2 semaphore(%run_scoped3A : memref<!tpu.dma_semaphore, #tpu.memory_space<semaphore_mem>>) src(%arg7 : memref<128x128xf32, #tpu.memory_space<vmem>>) dst(%dma_wait3A_190 : memref<128x128xf32, #tpu.memory_space<hbm>>)
        tpu.yield
      }) : () -> ()
      %mul3A_91 = arith.constant 5 : i32
      %mul3A_92 = arith.muli %scan3A_70, %mul3A_91 : i32
      %add3A_93 = arith.constant 1 : i32
      %add3A_94 = arith.addi %mul3A_92, %add3A_93 : i32
      %add3A_95 = arith.constant 4 : i32
      %add3A_96 = arith.addi %add3A_94, %add3A_95 : i32
      %min3A_97 = arith.constant 49 : i32
      %min3A_98 = arith.minsi %add3A_96, %min3A_97 : i32
      %dma_wait3A_99 = arith.constant 0 : i32
      %dma_wait3A_100 = tpu.memref_slice %arg6[%add3A_94, %dma_wait3A_99] : memref<50x128xi32, #tpu.memory_space<vmem>> -> memref<1x128xi32, #tpu.memory_space<vmem>>
      %dma_wait3A_101 = tpu.memref_squeeze %dma_wait3A_100 : memref<1x128xi32, #tpu.memory_space<vmem>> -> memref<128xi32, #tpu.memory_space<vmem>>
      %dma_wait3A_102 = arith.constant 0 : i32
      %dma_wait3A_103 = arith.constant 0 : i32
      %dma_wait3A_104 = tpu.memref_slice %arg2[%dma_wait3A_102, %dma_wait3A_103] : memref<100000x128xf32, #tpu.memory_space<hbm>> -> memref<100000x128xf32, #tpu.memory_space<hbm>>
      tpu.wait_indirect_dma semaphore(%arg13 : memref<!tpu.dma_semaphore, #tpu.memory_space<semaphore_mem>>) src(%dma_wait3A_104 : memref<100000x128xf32, #tpu.memory_space<hbm>>) dst(%arg8 : memref<128x128xf32, #tpu.memory_space<vmem>>)
      %dma_start3A_105 = arith.constant 0 : i32
      %dma_start3A_106 = tpu.memref_slice %arg6[%min3A_98, %dma_start3A_105] : memref<50x128xi32, #tpu.memory_space<vmem>> -> memref<1x128xi32, #tpu.memory_space<vmem>>
      %dma_start3A_107 = tpu.memref_squeeze %dma_start3A_106 : memref<1x128xi32, #tpu.memory_space<vmem>> -> memref<128xi32, #tpu.memory_space<vmem>>
      %dma_start3A_108 = arith.constant 0 : i32
      %dma_start3A_109 = arith.constant 0 : i32
      %dma_start3A_110 = tpu.memref_slice %arg2[%dma_start3A_108, %dma_start3A_109] : memref<100000x128xf32, #tpu.memory_space<hbm>> -> memref<100000x128xf32, #tpu.memory_space<hbm>>
      tpu.enqueue_indirect_dma source(%dma_start3A_110 : memref<100000x128xf32, #tpu.memory_space<hbm>>) target(%arg7 : memref<128x128xf32, #tpu.memory_space<vmem>>) offsets(%dma_start3A_107 : memref<128xi32, #tpu.memory_space<vmem>>) semaphore(%arg12 : memref<!tpu.dma_semaphore, #tpu.memory_space<semaphore_mem>>)
      %add3A_111 = arith.addi %mul3A_2, %add3A_94 : i32
      "tpu.region"() ({
        %run_scoped3A = tpu.sem_alloc : memref<!tpu.dma_semaphore, #tpu.memory_space<semaphore_mem>>
        %dma_start3A_175 = arith.constant 0 : i32
        %dma_start3A_176 = arith.constant 0 : i32
        %dma_start3A_177 = tpu.memref_slice %arg4[%add3A_111, %dma_start3A_175, %dma_start3A_176] : memref<1600x128x128xf32, #tpu.memory_space<hbm>> -> memref<1x128x128xf32, #tpu.memory_space<hbm>>
        %dma_start3A_178 = tpu.memref_squeeze %dma_start3A_177 : memref<1x128x128xf32, #tpu.memory_space<hbm>> -> memref<128x128xf32, #tpu.memory_space<hbm>>
        %dma_start3A_179 = arith.constant 0 : i32
        %dma_start3A_180 = arith.constant 0 : i32
        %dma_start3A_181 = tpu.memref_slice %arg4[%add3A_111, %dma_start3A_179, %dma_start3A_180] : memref<1600x128x128xf32, #tpu.memory_space<hbm>> -> memref<1x128x128xf32, #tpu.memory_space<hbm>>
        %dma_start3A_182 = tpu.memref_squeeze %dma_start3A_181 : memref<1x128x128xf32, #tpu.memory_space<hbm>> -> memref<128x128xf32, #tpu.memory_space<hbm>>
        tpu.enqueue_dma source(%arg8 : memref<128x128xf32, #tpu.memory_space<vmem>>) target(%dma_start3A_182 : memref<128x128xf32, #tpu.memory_space<hbm>>) target_semaphore(%run_scoped3A : memref<!tpu.dma_semaphore, #tpu.memory_space<semaphore_mem>>)
        %dma_wait3A_183 = arith.constant 0 : i32
        %dma_wait3A_184 = arith.constant 0 : i32
        %dma_wait3A_185 = tpu.memref_slice %arg4[%add3A_111, %dma_wait3A_183, %dma_wait3A_184] : memref<1600x128x128xf32, #tpu.memory_space<hbm>> -> memref<1x128x128xf32, #tpu.memory_space<hbm>>
        %dma_wait3A_186 = tpu.memref_squeeze %dma_wait3A_185 : memref<1x128x128xf32, #tpu.memory_space<hbm>> -> memref<128x128xf32, #tpu.memory_space<hbm>>
        %dma_wait3A_187 = arith.constant 0 : i32
        %dma_wait3A_188 = arith.constant 0 : i32
        %dma_wait3A_189 = tpu.memref_slice %arg4[%add3A_111, %dma_wait3A_187, %dma_wait3A_188] : memref<1600x128x128xf32, #tpu.memory_space<hbm>> -> memref<1x128x128xf32, #tpu.memory_space<hbm>>
        %dma_wait3A_190 = tpu.memref_squeeze %dma_wait3A_189 : memref<1x128x128xf32, #tpu.memory_space<hbm>> -> memref<128x128xf32, #tpu.memory_space<hbm>>
        tpu.wait_dma2 semaphore(%run_scoped3A : memref<!tpu.dma_semaphore, #tpu.memory_space<semaphore_mem>>) src(%arg8 : memref<128x128xf32, #tpu.memory_space<vmem>>) dst(%dma_wait3A_190 : memref<128x128xf32, #tpu.memory_space<hbm>>)
        tpu.yield
      }) : () -> ()
      %mul3A_112 = arith.constant 5 : i32
      %mul3A_113 = arith.muli %scan3A_70, %mul3A_112 : i32
      %add3A_114 = arith.constant 2 : i32
      %add3A_115 = arith.addi %mul3A_113, %add3A_114 : i32
      %add3A_116 = arith.constant 4 : i32
      %add3A_117 = arith.addi %add3A_115, %add3A_116 : i32
      %min3A_118 = arith.constant 49 : i32
      %min3A_119 = arith.minsi %add3A_117, %min3A_118 : i32
      %dma_wait3A_120 = arith.constant 0 : i32
      %dma_wait3A_121 = tpu.memref_slice %arg6[%add3A_115, %dma_wait3A_120] : memref<50x128xi32, #tpu.memory_space<vmem>> -> memref<1x128xi32, #tpu.memory_space<vmem>>
      %dma_wait3A_122 = tpu.memref_squeeze %dma_wait3A_121 : memref<1x128xi32, #tpu.memory_space<vmem>> -> memref<128xi32, #tpu.memory_space<vmem>>
      %dma_wait3A_123 = arith.constant 0 : i32
      %dma_wait3A_124 = arith.constant 0 : i32
      %dma_wait3A_125 = tpu.memref_slice %arg2[%dma_wait3A_123, %dma_wait3A_124] : memref<100000x128xf32, #tpu.memory_space<hbm>> -> memref<100000x128xf32, #tpu.memory_space<hbm>>
      tpu.wait_indirect_dma semaphore(%arg14 : memref<!tpu.dma_semaphore, #tpu.memory_space<semaphore_mem>>) src(%dma_wait3A_125 : memref<100000x128xf32, #tpu.memory_space<hbm>>) dst(%arg9 : memref<128x128xf32, #tpu.memory_space<vmem>>)
      %dma_start3A_126 = arith.constant 0 : i32
      %dma_start3A_127 = tpu.memref_slice %arg6[%min3A_119, %dma_start3A_126] : memref<50x128xi32, #tpu.memory_space<vmem>> -> memref<1x128xi32, #tpu.memory_space<vmem>>
      %dma_start3A_128 = tpu.memref_squeeze %dma_start3A_127 : memref<1x128xi32, #tpu.memory_space<vmem>> -> memref<128xi32, #tpu.memory_space<vmem>>
      %dma_start3A_129 = arith.constant 0 : i32
      %dma_start3A_130 = arith.constant 0 : i32
      %dma_start3A_131 = tpu.memref_slice %arg2[%dma_start3A_129, %dma_start3A_130] : memref<100000x128xf32, #tpu.memory_space<hbm>> -> memref<100000x128xf32, #tpu.memory_space<hbm>>
      tpu.enqueue_indirect_dma source(%dma_start3A_131 : memref<100000x128xf32, #tpu.memory_space<hbm>>) target(%arg8 : memref<128x128xf32, #tpu.memory_space<vmem>>) offsets(%dma_start3A_128 : memref<128xi32, #tpu.memory_space<vmem>>) semaphore(%arg13 : memref<!tpu.dma_semaphore, #tpu.memory_space<semaphore_mem>>)
      %add3A_132 = arith.addi %mul3A_2, %add3A_115 : i32
      "tpu.region"() ({
        %run_scoped3A = tpu.sem_alloc : memref<!tpu.dma_semaphore, #tpu.memory_space<semaphore_mem>>
        %dma_start3A_175 = arith.constant 0 : i32
        %dma_start3A_176 = arith.constant 0 : i32
        %dma_start3A_177 = tpu.memref_slice %arg4[%add3A_132, %dma_start3A_175, %dma_start3A_176] : memref<1600x128x128xf32, #tpu.memory_space<hbm>> -> memref<1x128x128xf32, #tpu.memory_space<hbm>>
        %dma_start3A_178 = tpu.memref_squeeze %dma_start3A_177 : memref<1x128x128xf32, #tpu.memory_space<hbm>> -> memref<128x128xf32, #tpu.memory_space<hbm>>
        %dma_start3A_179 = arith.constant 0 : i32
        %dma_start3A_180 = arith.constant 0 : i32
        %dma_start3A_181 = tpu.memref_slice %arg4[%add3A_132, %dma_start3A_179, %dma_start3A_180] : memref<1600x128x128xf32, #tpu.memory_space<hbm>> -> memref<1x128x128xf32, #tpu.memory_space<hbm>>
        %dma_start3A_182 = tpu.memref_squeeze %dma_start3A_181 : memref<1x128x128xf32, #tpu.memory_space<hbm>> -> memref<128x128xf32, #tpu.memory_space<hbm>>
        tpu.enqueue_dma source(%arg9 : memref<128x128xf32, #tpu.memory_space<vmem>>) target(%dma_start3A_182 : memref<128x128xf32, #tpu.memory_space<hbm>>) target_semaphore(%run_scoped3A : memref<!tpu.dma_semaphore, #tpu.memory_space<semaphore_mem>>)
        %dma_wait3A_183 = arith.constant 0 : i32
        %dma_wait3A_184 = arith.constant 0 : i32
        %dma_wait3A_185 = tpu.memref_slice %arg4[%add3A_132, %dma_wait3A_183, %dma_wait3A_184] : memref<1600x128x128xf32, #tpu.memory_space<hbm>> -> memref<1x128x128xf32, #tpu.memory_space<hbm>>
        %dma_wait3A_186 = tpu.memref_squeeze %dma_wait3A_185 : memref<1x128x128xf32, #tpu.memory_space<hbm>> -> memref<128x128xf32, #tpu.memory_space<hbm>>
        %dma_wait3A_187 = arith.constant 0 : i32
        %dma_wait3A_188 = arith.constant 0 : i32
        %dma_wait3A_189 = tpu.memref_slice %arg4[%add3A_132, %dma_wait3A_187, %dma_wait3A_188] : memref<1600x128x128xf32, #tpu.memory_space<hbm>> -> memref<1x128x128xf32, #tpu.memory_space<hbm>>
        %dma_wait3A_190 = tpu.memref_squeeze %dma_wait3A_189 : memref<1x128x128xf32, #tpu.memory_space<hbm>> -> memref<128x128xf32, #tpu.memory_space<hbm>>
        tpu.wait_dma2 semaphore(%run_scoped3A : memref<!tpu.dma_semaphore, #tpu.memory_space<semaphore_mem>>) src(%arg9 : memref<128x128xf32, #tpu.memory_space<vmem>>) dst(%dma_wait3A_190 : memref<128x128xf32, #tpu.memory_space<hbm>>)
        tpu.yield
      }) : () -> ()
      %mul3A_133 = arith.constant 5 : i32
      %mul3A_134 = arith.muli %scan3A_70, %mul3A_133 : i32
      %add3A_135 = arith.constant 3 : i32
      %add3A_136 = arith.addi %mul3A_134, %add3A_135 : i32
      %add3A_137 = arith.constant 4 : i32
      %add3A_138 = arith.addi %add3A_136, %add3A_137 : i32
      %min3A_139 = arith.constant 49 : i32
      %min3A_140 = arith.minsi %add3A_138, %min3A_139 : i32
      %dma_wait3A_141 = arith.constant 0 : i32
      %dma_wait3A_142 = tpu.memref_slice %arg6[%add3A_136, %dma_wait3A_141] : memref<50x128xi32, #tpu.memory_space<vmem>> -> memref<1x128xi32, #tpu.memory_space<vmem>>
      %dma_wait3A_143 = tpu.memref_squeeze %dma_wait3A_142 : memref<1x128xi32, #tpu.memory_space<vmem>> -> memref<128xi32, #tpu.memory_space<vmem>>
      %dma_wait3A_144 = arith.constant 0 : i32
      %dma_wait3A_145 = arith.constant 0 : i32
      %dma_wait3A_146 = tpu.memref_slice %arg2[%dma_wait3A_144, %dma_wait3A_145] : memref<100000x128xf32, #tpu.memory_space<hbm>> -> memref<100000x128xf32, #tpu.memory_space<hbm>>
      tpu.wait_indirect_dma semaphore(%arg15 : memref<!tpu.dma_semaphore, #tpu.memory_space<semaphore_mem>>) src(%dma_wait3A_146 : memref<100000x128xf32, #tpu.memory_space<hbm>>) dst(%arg10 : memref<128x128xf32, #tpu.memory_space<vmem>>)
      %dma_start3A_147 = arith.constant 0 : i32
      %dma_start3A_148 = tpu.memref_slice %arg6[%min3A_140, %dma_start3A_147] : memref<50x128xi32, #tpu.memory_space<vmem>> -> memref<1x128xi32, #tpu.memory_space<vmem>>
      %dma_start3A_149 = tpu.memref_squeeze %dma_start3A_148 : memref<1x128xi32, #tpu.memory_space<vmem>> -> memref<128xi32, #tpu.memory_space<vmem>>
      %dma_start3A_150 = arith.constant 0 : i32
      %dma_start3A_151 = arith.constant 0 : i32
      %dma_start3A_152 = tpu.memref_slice %arg2[%dma_start3A_150, %dma_start3A_151] : memref<100000x128xf32, #tpu.memory_space<hbm>> -> memref<100000x128xf32, #tpu.memory_space<hbm>>
      tpu.enqueue_indirect_dma source(%dma_start3A_152 : memref<100000x128xf32, #tpu.memory_space<hbm>>) target(%arg9 : memref<128x128xf32, #tpu.memory_space<vmem>>) offsets(%dma_start3A_149 : memref<128xi32, #tpu.memory_space<vmem>>) semaphore(%arg14 : memref<!tpu.dma_semaphore, #tpu.memory_space<semaphore_mem>>)
      %add3A_153 = arith.addi %mul3A_2, %add3A_136 : i32
      "tpu.region"() ({
        %run_scoped3A = tpu.sem_alloc : memref<!tpu.dma_semaphore, #tpu.memory_space<semaphore_mem>>
        %dma_start3A_175 = arith.constant 0 : i32
        %dma_start3A_176 = arith.constant 0 : i32
        %dma_start3A_177 = tpu.memref_slice %arg4[%add3A_153, %dma_start3A_175, %dma_start3A_176] : memref<1600x128x128xf32, #tpu.memory_space<hbm>> -> memref<1x128x128xf32, #tpu.memory_space<hbm>>
        %dma_start3A_178 = tpu.memref_squeeze %dma_start3A_177 : memref<1x128x128xf32, #tpu.memory_space<hbm>> -> memref<128x128xf32, #tpu.memory_space<hbm>>
        %dma_start3A_179 = arith.constant 0 : i32
        %dma_start3A_180 = arith.constant 0 : i32
        %dma_start3A_181 = tpu.memref_slice %arg4[%add3A_153, %dma_start3A_179, %dma_start3A_180] : memref<1600x128x128xf32, #tpu.memory_space<hbm>> -> memref<1x128x128xf32, #tpu.memory_space<hbm>>
        %dma_start3A_182 = tpu.memref_squeeze %dma_start3A_181 : memref<1x128x128xf32, #tpu.memory_space<hbm>> -> memref<128x128xf32, #tpu.memory_space<hbm>>
        tpu.enqueue_dma source(%arg10 : memref<128x128xf32, #tpu.memory_space<vmem>>) target(%dma_start3A_182 : memref<128x128xf32, #tpu.memory_space<hbm>>) target_semaphore(%run_scoped3A : memref<!tpu.dma_semaphore, #tpu.memory_space<semaphore_mem>>)
        %dma_wait3A_183 = arith.constant 0 : i32
        %dma_wait3A_184 = arith.constant 0 : i32
        %dma_wait3A_185 = tpu.memref_slice %arg4[%add3A_153, %dma_wait3A_183, %dma_wait3A_184] : memref<1600x128x128xf32, #tpu.memory_space<hbm>> -> memref<1x128x128xf32, #tpu.memory_space<hbm>>
        %dma_wait3A_186 = tpu.memref_squeeze %dma_wait3A_185 : memref<1x128x128xf32, #tpu.memory_space<hbm>> -> memref<128x128xf32, #tpu.memory_space<hbm>>
        %dma_wait3A_187 = arith.constant 0 : i32
        %dma_wait3A_188 = arith.constant 0 : i32
        %dma_wait3A_189 = tpu.memref_slice %arg4[%add3A_153, %dma_wait3A_187, %dma_wait3A_188] : memref<1600x128x128xf32, #tpu.memory_space<hbm>> -> memref<1x128x128xf32, #tpu.memory_space<hbm>>
        %dma_wait3A_190 = tpu.memref_squeeze %dma_wait3A_189 : memref<1x128x128xf32, #tpu.memory_space<hbm>> -> memref<128x128xf32, #tpu.memory_space<hbm>>
        tpu.wait_dma2 semaphore(%run_scoped3A : memref<!tpu.dma_semaphore, #tpu.memory_space<semaphore_mem>>) src(%arg10 : memref<128x128xf32, #tpu.memory_space<vmem>>) dst(%dma_wait3A_190 : memref<128x128xf32, #tpu.memory_space<hbm>>)
        tpu.yield
      }) : () -> ()
      %mul3A_154 = arith.constant 5 : i32
      %mul3A_155 = arith.muli %scan3A_70, %mul3A_154 : i32
      %add3A_156 = arith.constant 4 : i32
      %add3A_157 = arith.addi %mul3A_155, %add3A_156 : i32
      %add3A_158 = arith.constant 4 : i32
      %add3A_159 = arith.addi %add3A_157, %add3A_158 : i32
      %min3A_160 = arith.constant 49 : i32
      %min3A_161 = arith.minsi %add3A_159, %min3A_160 : i32
      %dma_wait3A_162 = arith.constant 0 : i32
      %dma_wait3A_163 = tpu.memref_slice %arg6[%add3A_157, %dma_wait3A_162] : memref<50x128xi32, #tpu.memory_space<vmem>> -> memref<1x128xi32, #tpu.memory_space<vmem>>
      %dma_wait3A_164 = tpu.memref_squeeze %dma_wait3A_163 : memref<1x128xi32, #tpu.memory_space<vmem>> -> memref<128xi32, #tpu.memory_space<vmem>>
      %dma_wait3A_165 = arith.constant 0 : i32
      %dma_wait3A_166 = arith.constant 0 : i32
      %dma_wait3A_167 = tpu.memref_slice %arg2[%dma_wait3A_165, %dma_wait3A_166] : memref<100000x128xf32, #tpu.memory_space<hbm>> -> memref<100000x128xf32, #tpu.memory_space<hbm>>
      tpu.wait_indirect_dma semaphore(%arg16 : memref<!tpu.dma_semaphore, #tpu.memory_space<semaphore_mem>>) src(%dma_wait3A_167 : memref<100000x128xf32, #tpu.memory_space<hbm>>) dst(%arg11 : memref<128x128xf32, #tpu.memory_space<vmem>>)
      %dma_start3A_168 = arith.constant 0 : i32
      %dma_start3A_169 = tpu.memref_slice %arg6[%min3A_161, %dma_start3A_168] : memref<50x128xi32, #tpu.memory_space<vmem>> -> memref<1x128xi32, #tpu.memory_space<vmem>>
      %dma_start3A_170 = tpu.memref_squeeze %dma_start3A_169 : memref<1x128xi32, #tpu.memory_space<vmem>> -> memref<128xi32, #tpu.memory_space<vmem>>
      %dma_start3A_171 = arith.constant 0 : i32
      %dma_start3A_172 = arith.constant 0 : i32
      %dma_start3A_173 = tpu.memref_slice %arg2[%dma_start3A_171, %dma_start3A_172] : memref<100000x128xf32, #tpu.memory_space<hbm>> -> memref<100000x128xf32, #tpu.memory_space<hbm>>
      tpu.enqueue_indirect_dma source(%dma_start3A_173 : memref<100000x128xf32, #tpu.memory_space<hbm>>) target(%arg10 : memref<128x128xf32, #tpu.memory_space<vmem>>) offsets(%dma_start3A_170 : memref<128xi32, #tpu.memory_space<vmem>>) semaphore(%arg15 : memref<!tpu.dma_semaphore, #tpu.memory_space<semaphore_mem>>)
      %add3A_174 = arith.addi %mul3A_2, %add3A_157 : i32
      "tpu.region"() ({
        %run_scoped3A = tpu.sem_alloc : memref<!tpu.dma_semaphore, #tpu.memory_space<semaphore_mem>>
        %dma_start3A_175 = arith.constant 0 : i32
        %dma_start3A_176 = arith.constant 0 : i32
        %dma_start3A_177 = tpu.memref_slice %arg4[%add3A_174, %dma_start3A_175, %dma_start3A_176] : memref<1600x128x128xf32, #tpu.memory_space<hbm>> -> memref<1x128x128xf32, #tpu.memory_space<hbm>>
        %dma_start3A_178 = tpu.memref_squeeze %dma_start3A_177 : memref<1x128x128xf32, #tpu.memory_space<hbm>> -> memref<128x128xf32, #tpu.memory_space<hbm>>
        %dma_start3A_179 = arith.constant 0 : i32
        %dma_start3A_180 = arith.constant 0 : i32
        %dma_start3A_181 = tpu.memref_slice %arg4[%add3A_174, %dma_start3A_179, %dma_start3A_180] : memref<1600x128x128xf32, #tpu.memory_space<hbm>> -> memref<1x128x128xf32, #tpu.memory_space<hbm>>
        %dma_start3A_182 = tpu.memref_squeeze %dma_start3A_181 : memref<1x128x128xf32, #tpu.memory_space<hbm>> -> memref<128x128xf32, #tpu.memory_space<hbm>>
        tpu.enqueue_dma source(%arg11 : memref<128x128xf32, #tpu.memory_space<vmem>>) target(%dma_start3A_182 : memref<128x128xf32, #tpu.memory_space<hbm>>) target_semaphore(%run_scoped3A : memref<!tpu.dma_semaphore, #tpu.memory_space<semaphore_mem>>)
        %dma_wait3A_183 = arith.constant 0 : i32
        %dma_wait3A_184 = arith.constant 0 : i32
        %dma_wait3A_185 = tpu.memref_slice %arg4[%add3A_174, %dma_wait3A_183, %dma_wait3A_184] : memref<1600x128x128xf32, #tpu.memory_space<hbm>> -> memref<1x128x128xf32, #tpu.memory_space<hbm>>
        %dma_wait3A_186 = tpu.memref_squeeze %dma_wait3A_185 : memref<1x128x128xf32, #tpu.memory_space<hbm>> -> memref<128x128xf32, #tpu.memory_space<hbm>>
        %dma_wait3A_187 = arith.constant 0 : i32
        %dma_wait3A_188 = arith.constant 0 : i32
        %dma_wait3A_189 = tpu.memref_slice %arg4[%add3A_174, %dma_wait3A_187, %dma_wait3A_188] : memref<1600x128x128xf32, #tpu.memory_space<hbm>> -> memref<1x128x128xf32, #tpu.memory_space<hbm>>
        %dma_wait3A_190 = tpu.memref_squeeze %dma_wait3A_189 : memref<1x128x128xf32, #tpu.memory_space<hbm>> -> memref<128x128xf32, #tpu.memory_space<hbm>>
        tpu.wait_dma2 semaphore(%run_scoped3A : memref<!tpu.dma_semaphore, #tpu.memory_space<semaphore_mem>>) src(%arg11 : memref<128x128xf32, #tpu.memory_space<vmem>>) dst(%dma_wait3A_190 : memref<128x128xf32, #tpu.memory_space<hbm>>)
        tpu.yield
      }) : () -> ()
    }
    %scan3A_42 = arith.constant 10 : i32
    %dma_wait3A = arith.constant 49 : i32
    %dma_wait3A_43 = arith.constant 0 : i32
    %dma_wait3A_44 = tpu.memref_slice %arg6[%dma_wait3A, %dma_wait3A_43] : memref<50x128xi32, #tpu.memory_space<vmem>> -> memref<1x128xi32, #tpu.memory_space<vmem>>
    %dma_wait3A_45 = tpu.memref_squeeze %dma_wait3A_44 : memref<1x128xi32, #tpu.memory_space<vmem>> -> memref<128xi32, #tpu.memory_space<vmem>>
    %dma_wait3A_46 = arith.constant 0 : i32
    %dma_wait3A_47 = arith.constant 0 : i32
    %dma_wait3A_48 = tpu.memref_slice %arg2[%dma_wait3A_46, %dma_wait3A_47] : memref<100000x128xf32, #tpu.memory_space<hbm>> -> memref<100000x128xf32, #tpu.memory_space<hbm>>
    tpu.wait_indirect_dma semaphore(%arg12 : memref<!tpu.dma_semaphore, #tpu.memory_space<semaphore_mem>>) src(%dma_wait3A_48 : memref<100000x128xf32, #tpu.memory_space<hbm>>) dst(%arg7 : memref<128x128xf32, #tpu.memory_space<vmem>>)
    %dma_wait3A_49 = arith.constant 49 : i32
    %dma_wait3A_50 = arith.constant 0 : i32
    %dma_wait3A_51 = tpu.memref_slice %arg6[%dma_wait3A_49, %dma_wait3A_50] : memref<50x128xi32, #tpu.memory_space<vmem>> -> memref<1x128xi32, #tpu.memory_space<vmem>>
    %dma_wait3A_52 = tpu.memref_squeeze %dma_wait3A_51 : memref<1x128xi32, #tpu.memory_space<vmem>> -> memref<128xi32, #tpu.memory_space<vmem>>
    %dma_wait3A_53 = arith.constant 0 : i32
    %dma_wait3A_54 = arith.constant 0 : i32
    %dma_wait3A_55 = tpu.memref_slice %arg2[%dma_wait3A_53, %dma_wait3A_54] : memref<100000x128xf32, #tpu.memory_space<hbm>> -> memref<100000x128xf32, #tpu.memory_space<hbm>>
    tpu.wait_indirect_dma semaphore(%arg13 : memref<!tpu.dma_semaphore, #tpu.memory_space<semaphore_mem>>) src(%dma_wait3A_55 : memref<100000x128xf32, #tpu.memory_space<hbm>>) dst(%arg8 : memref<128x128xf32, #tpu.memory_space<vmem>>)
    %dma_wait3A_56 = arith.constant 49 : i32
    %dma_wait3A_57 = arith.constant 0 : i32
    %dma_wait3A_58 = tpu.memref_slice %arg6[%dma_wait3A_56, %dma_wait3A_57] : memref<50x128xi32, #tpu.memory_space<vmem>> -> memref<1x128xi32, #tpu.memory_space<vmem>>
    %dma_wait3A_59 = tpu.memref_squeeze %dma_wait3A_58 : memref<1x128xi32, #tpu.memory_space<vmem>> -> memref<128xi32, #tpu.memory_space<vmem>>
    %dma_wait3A_60 = arith.constant 0 : i32
    %dma_wait3A_61 = arith.constant 0 : i32
    %dma_wait3A_62 = tpu.memref_slice %arg2[%dma_wait3A_60, %dma_wait3A_61] : memref<100000x128xf32, #tpu.memory_space<hbm>> -> memref<100000x128xf32, #tpu.memory_space<hbm>>
    tpu.wait_indirect_dma semaphore(%arg14 : memref<!tpu.dma_semaphore, #tpu.memory_space<semaphore_mem>>) src(%dma_wait3A_62 : memref<100000x128xf32, #tpu.memory_space<hbm>>) dst(%arg9 : memref<128x128xf32, #tpu.memory_space<vmem>>)
    %dma_wait3A_63 = arith.constant 49 : i32
    %dma_wait3A_64 = arith.constant 0 : i32
    %dma_wait3A_65 = tpu.memref_slice %arg6[%dma_wait3A_63, %dma_wait3A_64] : memref<50x128xi32, #tpu.memory_space<vmem>> -> memref<1x128xi32, #tpu.memory_space<vmem>>
    %dma_wait3A_66 = tpu.memref_squeeze %dma_wait3A_65 : memref<1x128xi32, #tpu.memory_space<vmem>> -> memref<128xi32, #tpu.memory_space<vmem>>
    %dma_wait3A_67 = arith.constant 0 : i32
    %dma_wait3A_68 = arith.constant 0 : i32
    %dma_wait3A_69 = tpu.memref_slice %arg2[%dma_wait3A_67, %dma_wait3A_68] : memref<100000x128xf32, #tpu.memory_space<hbm>> -> memref<100000x128xf32, #tpu.memory_space<hbm>>
    tpu.wait_indirect_dma semaphore(%arg15 : memref<!tpu.dma_semaphore, #tpu.memory_space<semaphore_mem>>) src(%dma_wait3A_69 : memref<100000x128xf32, #tpu.memory_space<hbm>>) dst(%arg10 : memref<128x128xf32, #tpu.memory_space<vmem>>)
    return
  }
}

module attributes {stable_mosaic.version = 14 : i64} {
  func.func @body(%arg0: i32, %arg1: memref<1x10000x128xf32, #tpu.memory_space<vmem>>, %arg2: memref<1x10000x128xf32, #tpu.memory_space<vmem>>, %arg3: memref<10000x128xf32, #tpu.memory_space<vmem>>) attributes {dimension_semantics = [#tpu.dimension_semantics<arbitrary>], iteration_bounds = array<i64: 10>, scalar_prefetch = 0 : i64, scratch_operands = 0 : i64, tpu.core_type = #tpu.core_type<tc>, window_params = [{transform_indices = @transform_0, window_bounds = array<i64: 1, 10000, 128>}, {transform_indices = @transform_1, window_bounds = array<i64: 1, 10000, 128>}, {transform_indices = @transform_2, window_bounds = array<i64: 10000, 128>}]} {
    %lt3A = arith.constant 9 : i32
    %lt3A_0 = arith.cmpi slt, %arg0, %lt3A : i32
    %convert_element_type3A = arith.extui %lt3A_0 : i1 to i32
    %cond3A = arith.constant 0 : i32
    %cond3A_1 = arith.cmpi ne, %convert_element_type3A, %cond3A : i32
    scf.if %cond3A_1 {
      %get3A = arith.constant 0 : index
      %get3A_6 = arith.constant 0 : index
      %get3A_7 = arith.constant 0 : index
      %get3A_8 = vector.load %arg1[%get3A, %get3A_6, %get3A_7] : memref<1x10000x128xf32, #tpu.memory_space<vmem>>, vector<1x10000x128xf32>
      %get3A_9 = vector.shape_cast %get3A_8 : vector<1x10000x128xf32> to vector<10000x128xf32>
      %swap3A = arith.constant 0 : index
      %swap3A_10 = arith.constant 0 : index
      %swap3A_11 = vector.load %arg3[%swap3A, %swap3A_10] : memref<10000x128xf32, #tpu.memory_space<vmem>>, vector<10000x128xf32>
      tpu.vector_store %arg3[%swap3A, %swap3A_10], %get3A_9 {strides = array<i32>} : memref<10000x128xf32, #tpu.memory_space<vmem>>, vector<10000x128xf32>,
    } else {
    }
    %ge3A = arith.constant 9 : i32
    %ge3A_2 = arith.cmpi sge, %arg0, %ge3A : i32
    %convert_element_type3A_3 = arith.extui %ge3A_2 : i1 to i32
    %cond3A_4 = arith.constant 0 : i32
    %cond3A_5 = arith.cmpi ne, %convert_element_type3A_3, %cond3A_4 : i32
    scf.if %cond3A_5 {
      %get3A = arith.constant 0 : index
      %get3A_6 = arith.constant 0 : index
      %get3A_7 = arith.constant 0 : index
      %get3A_8 = vector.load %arg2[%get3A, %get3A_6, %get3A_7] : memref<1x10000x128xf32, #tpu.memory_space<vmem>>, vector<1x10000x128xf32>
      %get3A_9 = vector.shape_cast %get3A_8 : vector<1x10000x128xf32> to vector<10000x128xf32>
      %swap3A = arith.constant 0 : index
      %swap3A_10 = arith.constant 0 : index
      %swap3A_11 = vector.load %arg3[%swap3A, %swap3A_10] : memref<10000x128xf32, #tpu.memory_space<vmem>>, vector<10000x128xf32>
      tpu.vector_store %arg3[%swap3A, %swap3A_10], %get3A_9 {strides = array<i32>} : memref<10000x128xf32, #tpu.memory_space<vmem>>, vector<10000x128xf32>,
    } else {
    }
    return
  }
  func.func @transform_0(%arg0: i32) -> (i32, i32, i32) {
    %min3A = arith.constant 8 : i32
    %min3A_0 = arith.minsi %arg0, %min3A : i32
    %c0_i32 = arith.constant 0 : i32
    %c0_i32_1 = arith.constant 0 : i32
    %c0_i32_2 = arith.constant 0 : i32
    return %min3A_0, %c0_i32, %c0_i32_1 : i32, i32, i32
  }
  func.func @transform_1(%arg0: i32) -> (i32, i32, i32) {
    %sub3A = arith.constant 9 : i32
    %sub3A_0 = arith.subi %arg0, %sub3A : i32
    %max3A = arith.constant 0 : i32
    %max3A_1 = arith.maxsi %sub3A_0, %max3A : i32
    %c0_i32 = arith.constant 0 : i32
    %c0_i32_2 = arith.constant 0 : i32
    %c0_i32_3 = arith.constant 0 : i32
    return %max3A_1, %c0_i32, %c0_i32_2 : i32, i32, i32
  }
  func.func @transform_2(%arg0: i32) -> (i32, i32) {
    %c0_i32 = arith.constant 0 : i32
    %c0_i32_0 = arith.constant 0 : i32
    return %arg0, %c0_i32 : i32, i32
  }
}

</mosaic_0001>

<sc_bundles>
// kernel: kernel.4.cloned.1.call-start
scs
__scs_entry_jumppad:
0x0: {  	(pc) =	sbr.rel $0x88, $3  }
0x1: {  	(tag) =	ssettag $0x0;
	lr =	simm.s32 $0x1  }
0x2: {  	[smem:$0x3F9E] =	sst lr;
	_ =	strace $0xD0000000  }
0x3: {  	_ = 	snop  }
0x4: {  	_ = 	snop  }
0x5: {  	_ = 	snop  }
0x6: {  	_ = 	snop  }
0x7: {  	_ = 	snop  }
__scs_overlays_trampoline_lowered:
0x8: {  	[smem:$0x3FAD] =	sst s0  }
0x9: {  	[smem:$0x3FAE] =	sst s1  }
0xa: {  	[smem:$0x3FAF] =	sst s2  }
0xb: {  	[smem:$0x3FB0] =	sst s3  }
0xc: {  	[smem:$0x3FB1] =	sst s4  }
0xd: {  	[smem:$0x3FB2] =	sst s5  }
0xe: {  	[smem:$0x3FB3] =	sst s6  }
0xf: {  	[smem:$0x3FB4] =	sst s7  }
0x10: {  	[smem:$0x3FB5] =	sst s8  }
0x11: {  	[smem:$0x3FB6] =	sst s9;
	s0 =	simm.s32 @!p0 $0x0  }
0x12: {  	s1 =	sld [smem:$0x3F9C];
	s0 =	simm.s32 @p0 $0x1  }
0x13: {  	[smem:$0x3FB7] =	sst s0;
	s0 =	simm.s32 @!p1 $0x0  }
0x14: {  	s2 =	sld [smem:$0x3F9B];
	s0 =	simm.s32 @p1 $0x1  }
0x15: {  	[smem:$0x3FB8] =	sst s0;
	s0 =	simm.s32 @!p2 $0x0  }
0x16: {  	s3 =	sld [smem:$0x3FDB];
	s0 =	simm.s32 @p2 $0x1  }
0x17: {  	s4 =	simm.s32 $0x1BF5;
	[smem:$0x3FBA] =	sst s0  }
0x18: {  	s0 =	sld [smem:$0x3F9D];
	_ =	swait.ge [sflag:s4], $0x0  }
0x19: {  	s7 =	sld [smem:$0x3F9E]  }
0x1a: {  	s8 =	sadd.s32 $0xFFFFE003, lr  }
0x1b: {  	s9 =	sadd.s32 $0xFFFFFEF7, lr;
	s5 =	simm.s32 $0xFFFFFFFF;
	p2 =	slt.u32 s8, $0xFFFFF086  }
0x1c: {  	p1 =	slt.u32 s9, $0xF7A;
	s5 =	simm.s32 @!p2 $0x0  }
0x1d: {  	s5 =	simm.s32 @p1 $0x1;
	p0 =	seq.s32 s7, s2  }
0x1e: {  	s7 =	smul.u32 @!p0 $0xF7A, s2;
	p2 =	seq.s32 @!p0 s5, $0x0  }
0x1f: {  	s9 =	smul.u32 $0xF7A, s1;
	s8 =	simm.s32 @!p0 $0x1BF5;
	p2 =	por !p2, p0  }
0x20: {  	[sflag:s8] =	ssyncset.s32 @!p0 $0xFFFFF086;
	s6 =	sadd.s32 @!p0 s3, s7;
	s7 =	simm.s32 @!p0 $0x108  }
0x21: {  	s3 =	sadd.s32 s3, s9;
	s6 =	sadd.s32 @!p0 $0x88, s6;
	s7 =	simm.s32 @p2 $0x1082  }
0x22: {  	[simem:s7], [sflag:s8] =	dma.local @!p0 [hbm:s6], $0xF7A  }
0x23: {  	s9 =	sor.u32 $0xD0000000, s2;
	s6 =	simm.s32 $0x108;
	_ =	swait.ge @!p0 [sflag:s8], $0x0  }
0x24: {  	s3 =	sadd.s32 $0x88, s3;
	s6 =	simm.s32 @!p1 $0x1082;
	[sflag:s4] =	ssyncset.s32 $0xFFFFF086  }
0x25: {  	[simem:s6], [sflag:s4] =	dma.local [hbm:s3], $0xF7A  }
0x26: {  	[smem:$0x3F9E] =	sst s1;
	(tag) =	ssettag s2;
	_ =	strace s9  }
0x27: {  	s1 =	sld [smem:$0x3FAE]  }
0x28: {  	s2 =	sld [smem:$0x3FAF]  }
0x29: {  	s4 =	sld [smem:$0x3FB1]  }
0x2a: {  	p0 =	seq.s32 s5, $0x0;
	s5 =	sld [smem:$0x3FB2]  }
0x2b: {  	s6 =	sld [smem:$0x3FB3]  }
0x2c: {  	s7 =	sld [smem:$0x3FB4]  }
0x2d: {  	s3 =	simm.s32 $0x108;
	s8 =	sld [smem:$0x3FB5]  }
0x2e: {  	s3 =	simm.s32 @!p0 $0x1082;
	s9 =	sld [smem:$0x3FB6]  }
0x2f: {  	lr =	sadd.s32 s0, s3;
	s0 =	sld [smem:$0x3FAD]  }
0x30: {  	s3 =	sld [smem:$0x3FB0]  }
0x31: {  	[smem:$0x3FB9] =	sst s10  }
0x32: {  	s10 =	sld [smem:$0x3FB7];
	_ =	sdelay $0x3  }
0x33: {  	p0 =	seq.s32 s10, $0x1;
	s10 =	sld [smem:$0x3FB9];
	_ =	sdelay $0x3  }
0x34: {  	[smem:$0x3FB9] =	sst s10  }
0x35: {  	s10 =	sld [smem:$0x3FB8];
	_ =	sdelay $0x3  }
0x36: {  	p1 =	seq.s32 s10, $0x1;
	s10 =	sld [smem:$0x3FB9];
	_ =	sdelay $0x3  }
0x37: {  	[smem:$0x3FB9] =	sst s10  }
0x38: {  	s10 =	sld [smem:$0x3FBA]  }
0x39: {  	_ = 	snop;
	(pc) =	sbr.ind lr, $3  }
0x3a: {  	_ = 	snop  }
0x3b: {  	_ = 	snop  }
0x3c: {  	p2 =	seq.s32 s10, $0x1;
	s10 =	sld [smem:$0x3FB9]  }
0x3d: {  	_ =	shalt  }
0x3e: {  	_ =	shalt  }
0x3f: {  	_ =	shalt  }
0x40: {  	_ =	shalt  }
0x41: {  	_ =	shalt  }
0x42: {  	_ =	shalt  }
0x43: {  	_ =	shalt  }
0x44: {  	_ =	shalt  }
0x45: {  	_ =	shalt  }
0x46: {  	_ =	shalt  }
0x47: {  	_ =	shalt  }
0x48: {  	_ =	shalt  }
0x49: {  	_ =	shalt  }
0x4a: {  	_ =	shalt  }
0x4b: {  	_ =	shalt  }
0x4c: {  	_ =	shalt  }
0x4d: {  	_ =	shalt  }
0x4e: {  	_ =	shalt  }
0x4f: {  	_ =	shalt  }
0x50: {  	_ =	shalt  }
0x51: {  	_ =	shalt  }
0x52: {  	_ =	shalt  }
0x53: {  	_ =	shalt  }
0x54: {  	_ =	shalt  }
0x55: {  	_ =	shalt  }
0x56: {  	_ =	shalt  }
0x57: {  	_ =	shalt  }
0x58: {  	_ =	shalt  }
0x59: {  	_ =	shalt  }
0x5a: {  	_ =	shalt  }
0x5b: {  	_ =	shalt  }
0x5c: {  	_ =	shalt  }
0x5d: {  	_ =	shalt  }
0x5e: {  	_ =	shalt  }
0x5f: {  	_ =	shalt  }
0x60: {  	_ =	shalt  }
0x61: {  	_ =	shalt  }
0x62: {  	_ =	shalt  }
0x63: {  	_ =	shalt  }
0x64: {  	_ =	shalt  }
0x65: {  	_ =	shalt  }
0x66: {  	_ =	shalt  }
0x67: {  	_ =	shalt  }
0x68: {  	_ =	shalt  }
0x69: {  	_ =	shalt  }
0x6a: {  	_ =	shalt  }
0x6b: {  	_ =	shalt  }
0x6c: {  	_ =	shalt  }
0x6d: {  	_ =	shalt  }
0x6e: {  	_ =	shalt  }
0x6f: {  	_ =	shalt  }
0x70: {  	_ =	shalt  }
0x71: {  	_ =	shalt  }
0x72: {  	_ =	shalt  }
0x73: {  	_ =	shalt  }
0x74: {  	_ =	shalt  }
0x75: {  	_ =	shalt  }
0x76: {  	_ =	shalt  }
0x77: {  	_ =	shalt  }
0x78: {  	_ =	shalt  }
0x79: {  	_ =	shalt  }
0x7a: {  	_ =	shalt  }
0x7b: {  	_ =	shalt  }
0x7c: {  	_ =	shalt  }
0x7d: {  	_ =	shalt  }
0x7e: {  	_ =	shalt  }
0x7f: {  	_ =	shalt  }
0x80: {  	_ =	shalt  }
0x81: {  	_ =	shalt  }
0x82: {  	_ =	shalt  }
0x83: {  	_ =	shalt  }
0x84: {  	_ =	shalt  }
0x85: {  	_ =	shalt  }
0x86: {  	_ =	shalt  }
0x87: {  	_ =	shalt  }
.Lfunc_end0:
.L_simem_size_0:
called_computation_lowered:
.L_overlay_start_0:
0x88: {  	s2 =	sld [smem:$0x3FD9]  }
0x89: {  	s3 =	sld [smem:$0x3FFE];
	_ =	sdelay $0x1  }
0x8a: {  	s1 =	srdreg.scid  }
0x8b: {  	s0 =	sand.u32 $0x1, s1  }
0x8c: {  	s17 =	sshll.u32 s0, $0xA;
	s2 =	sadd.s32 s3, s2  }
0x8d: {  	s2 =	sadd.s32 s2, s17  }
0x8e: {  	[smem:$0x3FC5] =	sst s2  }
0x8f: {  	_ = 	snop  }
0x90: {  	s2 =	sld [smem:$0x3FD0];
	(tm) =	ssettm $0x1  }
0x91: {  	s18 =	sld [smem:$0x3FFB];
	_ =	sdelay $0x3  }
0x92: {  	_ =	strace s18  }
0x93: {  	s3 =	sld [smem:$0x3FFC];
	_ =	sdelay $0x3  }
0x94: {  	_ =	strace s3  }
0x95: {  	s3 =	sld [smem:$0x3FFD];
	_ =	sdelay $0x3  }
0x96: {  	_ =	strace s3  }
0x97: {  	_ =	strace $0x8FFFFFFF  }
0x98: {  	s19 =	sld [smem:$0x3FDB];
	_ =	sdelay $0x1  }
0x99: {  	s4 =	simm.s32 $_scs_section_size  }
0x9a: {  	s5 =	simm.s32 $_size__tile_overlayer_lowered;
	s6 =	simm.s32 $_tile_overlayer_lowered  }
0x9b: {  	s22 =	simm.s32 $0x1BFF;
	s21 =	sshll.u32 s6, $0x1;
	s3 =	sadd.s32 s4, s19  }
0x9c: {  	s7 =	simm.s32 $0x0;
	s20 =	sshll.u32 s5, $0x1;
	s5 =	sadd.s32 s21, s3  }
0x9d: {  	[timem:s7], [sflag:s22] =	dma.local [hbm:s5], s20  }
0x9e: {  	_ =	swait.ge [sflag:s22], s20  }
0x9f: {  	s4 =	ssub.s32 $0x0, s20;
	[sflag:s22] =	ssyncset.done $0x0  }
0xa0: {  	[sflag:s22] =	ssyncadd.s32 s4;
	_ =	sdelay $0x1  }
0xa1: {  	s23 =	simm.s32 $0x1B8B  }
0xa2: {  	_ =	swait.ge [sflag:s23], $0x1  }
0xa3: {  	[sflag:s23] =	ssyncset.done $0x0  }
0xa4: {  	s25 =	simm.s32 $0x1B8E;
	s24 =	sld [smem:$0x3FFE];
	[sflag:s23] =	ssyncadd.s32 $0xFFFFFFFF  }
0xa5: {  	s26 =	simm.s32 $execute0_lowered;
	[smem:$0x3FD2] =	sst s25  }
0xa6: {  	s5 =	sshll.u32 s26, $0x1;
	_ =	strace $0x80000046;
	[dreg:$0x1] =	wrdreg $0xFFFFFFFF  }
0xa7: {  	s28 =	simm.s32 $_size_execute0_lowered;
	s3 =	sadd.s32 s3, s5;
	[dreg:$0x0] =	wrdreg $0x0  }
0xa8: {  	s5 =	sshll.u32 s28, $0x1;
	[dreg:$0x2] =	wrdreg s3  }
0xa9: {  	[dreg:$0x3] =	wrdreg s5  }
0xaa: {  	[dreg:$0x4] =	wrdreg $0xC0  }
0xab: {  	_ =	task [dreg:s7], $0x5FFFF  }
0xac: {  	[dreg:$0x1] =	wrdreg $0xFFFFFFFF  }
0xad: {  	[dreg:$0x0] =	wrdreg $0x60  }
0xae: {  	[dreg:$0x2] =	wrdreg s24  }
0xaf: {  	[dreg:$0x3] =	wrdreg s2  }
0xb0: {  	[dreg:$0x4] =	wrdreg $0x9  }
0xb1: {  	_ =	task.clear_ibuf [dreg:s7], $0x5FFFF;
	_ =	strace $0x90000046  }
0xb2: {  	s29 =	simm.s32 $0x9;
	_ =	strace $0x80000048  }
0xb3: {  	_ =	swait.ge [sflag:s29], $0x1  }
0xb4: {  	[sflag:s29] =	ssyncadd.s32 $0xFFFFFFFF  }
0xb5: {  	_ =	strace $0x90000048  }
0xb6: {  	_ =	sfence  }
0xb7: {  	s30 =	sld [smem:$0x0];
	_ =	sdelay $0x2  }
0xb8: {  	s31 =	sshll.u32 s1, $0xD;
	s1 =	sshrl.u32 s1, $0x2  }
0xb9: {  	s3 =	sand.u32 $0x4000, s31;
	s1 =	sadd.s32 s1, s30  }
0xba: {  	s0 =	sor.u32 s3, s0;
	s1 =	sshll.u32 s1, $0x11  }
0xbb: {  	s0 =	sor.u32 s1, s0  }
0xbc: {  	s0 =	sadd.s32 $0x8F2B, s0  }
0xbd: {  	[sflag:s0] =	ssyncadd.remote.s32 $0x1  }
0xbe: {  	_ =	sfence.sel $0xFFFF  }
0xbf: {  	[dreg:$0x0] =	wrdreg $0xFFFFFFFF;
	(pc) =	sbr.abs _section_cstart, $3  }
0xc0: {  	[dreg:$0x1] =	wrdreg $0xFFFFFFFF  }
0xc1: {  	_ =	task.clear_ibuf [dreg:s7], $0x2FFFF;
	_ =	strace $0x9FFFFFFF  }
0xc2: {  	(tm) =	ssettm $0x7FFFFFFF  }
0xc3: {  	_ =	shalt  }
tec
execute0_lowered:
.L_overlay_start_1:
0x0: {  	(tag) =	ssettag $0x1  }
0x1: {  	s4 =	rddreg [dreg:$0x0]  }
0x2: {  	s5 =	rddreg [dreg:$0x1]  }
0x3: {  	s0 =	rddreg [dreg:$0x2];
	s2 =	srdreg.scid  }
0x4: {  	s1 =	stileid.u32;
	s11 =	simm.s32 $0x7500;
	s12 =	simm.s32 $0x1A00  }
0x5: {  	s13 =	simm.s32 $0xB500;
	s14 =	simm.s32 $0x1A80;
	s15 =	simm.s32 $0xF500  }
0x6: {  	s16 =	simm.s32 $0x1;
	s17 =	simm.s32 $0x13500;
	s18 =	simm.s32 $0x2  }
0x7: {  	s19 =	simm.s32 $0x3;
	s20 =	simm.s32 $0x4;
	s7 =	smul.u32 $0x64, s1  }
0x8: {  	s21 =	simm.s32 $0x5;
	s6 =	sand.u32 $0x1, s2;
	s10 =	smul.u32 $0x32000, s1  }
0x9: {  	s3 =	sshll.u32 s1, $0x1;
	s2 =	simm.s32 $0x0;
	s8 =	smul.u32 $0x32, s6  }
0xa: {  	s3 =	sor.u32 s6, s3;
	s26 =	ssub.s32 $0x2, s6;
	s6 =	smul.u32 $0x19000, s6  }
0xb: {  	s22 =	simm.s32 $0x0;
	[smem:$0x7FF] =	sst s2;
	s9 =	smul.u32 $0x320, s3  }
0xc: {  	_ =	strace $0x80000047;
	s28 =	sshrl.u32 s26, $0x1;
	s7 =	sadd.s32 s8, s7  }
0xd: {  	s3 =	sadd.s32 $0x6A00, s4;
	s8 =	ssub.s32 s26, s28;
	s7 =	sshll.u32 s7, $0xB  }
0xe: {  	s4 =	sadd.s32 s9, s4;
	s9 =	simm.s32 $0x3500;
	s7 =	sadd.s32 s7, s5  }
0xf: {  	s5 =	sadd.s32 s10, s5;
	s4 =	sadd.s32 $0x600, s4;
	s29 =	sadd.s32 $0x1000, s7  }
0x10: {  	s10 =	simm.s32 $0x1980;
	s30 =	sadd.s32 $0x800, s7;
	[dreg:$0x3] =	wrdreg s29  }
0x11: {  	s6 =	sadd.s32 s6, s5;
	s5 =	smax.u32 s8, $0x1;
	[dreg:$0x4] =	wrdreg s30  }
0x12: {  	s31 =	sadd.s32 $0x2000, s7;
	s7 =	simm.s32 $0x80;
	[dreg:$0x5] =	wrdreg s6  }
0x13: {  	s8 =	simm.s32 $0x1900;
	[dreg:$0x6] =	wrdreg s31;
	s6 =	simm.s32 $0x6  }
.LBB2_1:
0x14: {  	[tilespmem:s2], [sflag:$0x6] =	stream.linear.gather [hbm4b:s4+s2], $0x1900, $0x38;
	[tilespmem:$0x17500] =	vst v63  }
0x15: {  	_ =	swait.ge [sflag:s6], $0x1900  }
0x16: {  	s26 =	simm.s32 $0x0;
	s25 =	simm.s32 $0x10;
	[sflag:s6] =	ssyncset.done $0x0  }
0x17: {  	s23 =	simm.s32 $0x0;
	s24 =	simm.s32 $0x0;
	[sflag:s6] =	ssyncadd.s32 $0xFFFFE700  }
.LBB2_2:
0x18: {  	p0 =	sne.s32 s25, $0x18F0;
	v0 =	vld [tilespmem:s26+$0x0];
	_ =	sdelay $0x3  }
.Ltmp0:
0x19: {  	(pc) =	sbr.rel @p0 .LBB2_2-.Ltmp0, $4  }
0x1a: {  	s26 =	sand.u32 $0x7E00, s23;
	vm0 =	vgt.s32 v0, $0x0  }
0x1b: {  	s28 =	sand.u32 $0x70, s24;
	s24 =	smov.u32 s25;
	s26 =	sshrl.u32 s26, $0x2;
	v0 =	vnsel vm0, $0x0, v0  }
0x1c: {  	s23 =	sadd.s32 $0x40, s23;
	s28 =	sor.u32 s28, s26;
	v0 =	vmin.u32 v0, $0x1869F  }
0x1d: {  	s25 =	sadd.s32 $0x10, s25;
	s26 =	sshra.s32 s23, $0x2;
	[tilespmem:s28+$0x1900] =	vst v0  }
0x1e: {  	v0 =	vld [tilespmem:s26+$0x0];
	_ =	sdelay $0x4  }
0x1f: {  	s23 =	sand.u32 $0x7E00, s23;
	vm0 =	vgt.s32 v0, $0x0  }
0x20: {  	s24 =	sand.u32 $0x70, s24;
	s23 =	sshrl.u32 s23, $0x2;
	v0 =	vnsel vm0, $0x0, v0  }
0x21: {  	s23 =	sor.u32 s24, s23;
	v0 =	vmin.u32 v0, $0x1869F  }
0x22: {  	[tilespmem:s23+$0x1900] =	vst v0  }
0x23: {  	[tilespmem:s9], [sflag:$0x1] =	stream.indirect.gather [hbm4b:s3+s7], $0x80, s8, s7, $0xb8;
	[tilespmem:$0x17500] =	vst v63  }
0x24: {  	_ = 	snop  }
0x25: {  	[tilespmem:s11], [sflag:$0x2] =	stream.indirect.gather [hbm4b:s3+s7], $0x80, s10, s7, $0xb8;
	[tilespmem:$0x17500] =	vst v63  }
0x26: {  	_ = 	snop  }
0x27: {  	[tilespmem:s13], [sflag:$0x3] =	stream.indirect.gather [hbm4b:s3+s7], $0x80, s12, s7, $0xb8;
	[tilespmem:$0x17500] =	vst v63  }
0x28: {  	_ = 	snop  }
0x29: {  	[tilespmem:s15], [sflag:$0x4] =	stream.indirect.gather [hbm4b:s3+s7], $0x80, s14, s7, $0xb8;
	[tilespmem:$0x17500] =	vst v63  }
0x2a: {  	_ =	swait.ge [sflag:s16], $0x4000  }
0x2b: {  	[sflag:s16] =	ssyncset.done $0x0  }
0x2c: {  	s23 =	simm.s32 $0x1B00;
	s30 =	rddreg [dreg:$0x5];
	[sflag:s16] =	ssyncadd.s32 $0xFFFFC000  }
0x2d: {  	[tilespmem:s17], [sflag:$0x5] =	stream.indirect.gather [hbm4b:s3+s7], $0x80, s23, s7, $0xb8;
	[tilespmem:$0x17500] =	vst v63  }
0x2e: {  	s24 =	sadd.s32 $0x0, s30  }
0x2f: {  	[hbm4b:s24+s2] =	stream.linear.scatter [tilespmem:s9], [sflag:$0x6], $0x4000, $0x38;
	[tilespmem:$0x17500] =	vst v63  }
0x30: {  	_ =	swait.ge [sflag:s6], $0x4000  }
0x31: {  	[sflag:s6] =	ssyncset.done $0x0  }
0x32: {  	s24 =	simm.s32 $0x0;
	[sflag:s6] =	ssyncadd.s32 $0xFFFFC000  }
0x33: {  	s25 =	smin.u32 s24, $0x2C;
	_ =	swait.ge [sflag:s18], $0x4000  }
0x34: {  	s25 =	sshll.u32 s25, $0x7;
	[sflag:s18] =	ssyncset.done $0x0  }
0x35: {  	s25 =	sadd.s32 $0x1B80, s25;
	s31 =	rddreg [dreg:$0x4];
	[sflag:s18] =	ssyncadd.s32 $0xFFFFC000  }
0x36: {  	[tilespmem:s9], [sflag:$0x1] =	stream.indirect.gather [hbm4b:s3+s7], $0x80, s25, s7, $0xb8;
	[tilespmem:$0x17500] =	vst v63  }
0x37: {  	s28 =	sadd.s32 $0x0, s31  }
0x38: {  	[hbm4b:s28+s2] =	stream.linear.scatter [tilespmem:s11], [sflag:$0x6], $0x4000, $0x38;
	[tilespmem:$0x17500] =	vst v63  }
0x39: {  	_ =	swait.ge [sflag:s6], $0x4000  }
0x3a: {  	[sflag:s6] =	ssyncset.done $0x0  }
0x3b: {  	[sflag:s6] =	ssyncadd.s32 $0xFFFFC000  }
0x3c: {  	s29 =	smin.u32 s24, $0x2B;
	_ =	swait.ge [sflag:s19], $0x4000  }
0x3d: {  	s25 =	sshll.u32 s29, $0x7;
	[sflag:s19] =	ssyncset.done $0x0  }
0x3e: {  	s25 =	sadd.s32 $0x1C00, s25;
	s30 =	rddreg [dreg:$0x3];
	[sflag:s19] =	ssyncadd.s32 $0xFFFFC000  }
0x3f: {  	[tilespmem:s11], [sflag:$0x2] =	stream.indirect.gather [hbm4b:s3+s7], $0x80, s25, s7, $0xb8;
	[tilespmem:$0x17500] =	vst v63  }
0x40: {  	s31 =	sadd.s32 $0x0, s30  }
0x41: {  	[hbm4b:s31+s2] =	stream.linear.scatter [tilespmem:s13], [sflag:$0x6], $0x4000, $0x38;
	[tilespmem:$0x17500] =	vst v63  }
0x42: {  	_ =	swait.ge [sflag:s6], $0x4000  }
0x43: {  	[sflag:s6] =	ssyncset.done $0x0  }
0x44: {  	[sflag:s6] =	ssyncadd.s32 $0xFFFFC000  }
0x45: {  	s28 =	smin.u32 s24, $0x2A;
	_ =	swait.ge [sflag:s20], $0x4000  }
0x46: {  	s26 =	sshll.u32 s28, $0x7;
	[sflag:s20] =	ssyncset.done $0x0  }
0x47: {  	s26 =	sadd.s32 $0x1C80, s26;
	[sflag:s20] =	ssyncadd.s32 $0xFFFFC000  }
0x48: {  	[tilespmem:s13], [sflag:$0x3] =	stream.indirect.gather [hbm4b:s3+s7], $0x80, s26, s7, $0xb8;
	[tilespmem:$0x17500] =	vst v63  }
0x49: {  	s25 =	sadd.s32 $0x800, s31  }
0x4a: {  	[hbm4b:s25+s2] =	stream.linear.scatter [tilespmem:s15], [sflag:$0x6], $0x4000, $0x38;
	[tilespmem:$0x17500] =	vst v63  }
0x4b: {  	_ =	swait.ge [sflag:s6], $0x4000  }
0x4c: {  	[sflag:s6] =	ssyncset.done $0x0  }
0x4d: {  	[sflag:s6] =	ssyncadd.s32 $0xFFFFC000  }
0x4e: {  	s29 =	smin.u32 s24, $0x29;
	_ =	swait.ge [sflag:s21], $0x4000  }
0x4f: {  	s25 =	sshll.u32 s29, $0x7;
	[sflag:s21] =	ssyncset.done $0x0  }
0x50: {  	s25 =	sadd.s32 $0x1D00, s25;
	s30 =	rddreg [dreg:$0x6];
	[sflag:s21] =	ssyncadd.s32 $0xFFFFC000  }
0x51: {  	[tilespmem:s15], [sflag:$0x4] =	stream.indirect.gather [hbm4b:s3+s7], $0x80, s25, s7, $0xb8;
	[tilespmem:$0x17500] =	vst v63  }
0x52: {  	s31 =	sadd.s32 $0x0, s30  }
0x53: {  	[hbm4b:s31+s2] =	stream.linear.scatter [tilespmem:s17], [sflag:$0x6], $0x4000, $0x38;
	[tilespmem:$0x17500] =	vst v63  }
0x54: {  	_ =	swait.ge [sflag:s6], $0x4000  }
0x55: {  	s25 =	simm.s32 $0x2800;
	[sflag:s6] =	ssyncset.done $0x0  }
.LBB2_4:
0x56: {  	[sflag:s6] =	ssyncadd.s32 $0xFFFFC000  }
0x57: {  	_ =	swait.ge [sflag:s16], $0x4000  }
0x58: {  	s23 =	sadd.s32 $0x280, s23;
	[sflag:s16] =	ssyncset.done $0x0  }
0x59: {  	s26 =	smov.u32 s25;
	s28 =	rddreg [dreg:$0x5];
	[sflag:s16] =	ssyncadd.s32 $0xFFFFC000  }
0x5a: {  	[tilespmem:s17], [sflag:$0x5] =	stream.indirect.gather [hbm4b:s3+s7], $0x80, s23, s7, $0xb8;
	[tilespmem:$0x17500] =	vst v63  }
0x5b: {  	s28 =	sadd.s32 s26, s28  }
0x5c: {  	[hbm4b:s28+s2] =	stream.linear.scatter [tilespmem:s9], [sflag:$0x6], $0x4000, $0x38;
	[tilespmem:$0x17500] =	vst v63  }
0x5d: {  	_ =	swait.ge [sflag:s6], $0x4000  }
0x5e: {  	[sflag:s6] =	ssyncset.done $0x0  }
0x5f: {  	s24 =	sadd.s32 $0x5, s24;
	[sflag:s6] =	ssyncadd.s32 $0xFFFFC000  }
0x60: {  	s31 =	smin.u32 s24, $0x2C;
	_ =	swait.ge [sflag:s18], $0x4000  }
0x61: {  	s28 =	sshll.u32 s31, $0x7;
	[sflag:s18] =	ssyncset.done $0x0  }
0x62: {  	s28 =	sadd.s32 $0x1B80, s28;
	s29 =	rddreg [dreg:$0x4];
	[sflag:s18] =	ssyncadd.s32 $0xFFFFC000  }
0x63: {  	[tilespmem:s9], [sflag:$0x1] =	stream.indirect.gather [hbm4b:s3+s7], $0x80, s28, s7, $0xb8;
	[tilespmem:$0x17500] =	vst v63  }
0x64: {  	s29 =	sadd.s32 s26, s29  }
0x65: {  	[hbm4b:s29+s2] =	stream.linear.scatter [tilespmem:s11], [sflag:$0x6], $0x4000, $0x38;
	[tilespmem:$0x17500] =	vst v63  }
0x66: {  	_ =	swait.ge [sflag:s6], $0x4000  }
0x67: {  	[sflag:s6] =	ssyncset.done $0x0  }
0x68: {  	[sflag:s6] =	ssyncadd.s32 $0xFFFFC000  }
0x69: {  	s30 =	smin.u32 s24, $0x2B;
	_ =	swait.ge [sflag:s19], $0x4000  }
0x6a: {  	s28 =	sshll.u32 s30, $0x7;
	[sflag:s19] =	ssyncset.done $0x0  }
0x6b: {  	s28 =	sadd.s32 $0x1C00, s28;
	s31 =	rddreg [dreg:$0x3];
	[sflag:s19] =	ssyncadd.s32 $0xFFFFC000  }
0x6c: {  	[tilespmem:s11], [sflag:$0x2] =	stream.indirect.gather [hbm4b:s3+s7], $0x80, s28, s7, $0xb8;
	[tilespmem:$0x17500] =	vst v63  }
0x6d: {  	s30 =	sadd.s32 s26, s31  }
0x6e: {  	[hbm4b:s30+s2] =	stream.linear.scatter [tilespmem:s13], [sflag:$0x6], $0x4000, $0x38;
	[tilespmem:$0x17500] =	vst v63  }
0x6f: {  	_ =	swait.ge [sflag:s6], $0x4000  }
0x70: {  	[sflag:s6] =	ssyncset.done $0x0  }
0x71: {  	[sflag:s6] =	ssyncadd.s32 $0xFFFFC000  }
0x72: {  	s31 =	smin.u32 s24, $0x2A;
	_ =	swait.ge [sflag:s20], $0x4000  }
0x73: {  	s29 =	sshll.u32 s31, $0x7;
	[sflag:s20] =	ssyncset.done $0x0  }
0x74: {  	s29 =	sadd.s32 $0x1C80, s29;
	[sflag:s20] =	ssyncadd.s32 $0xFFFFC000  }
0x75: {  	[tilespmem:s13], [sflag:$0x3] =	stream.indirect.gather [hbm4b:s3+s7], $0x80, s29, s7, $0xb8;
	[tilespmem:$0x17500] =	vst v63  }
0x76: {  	s28 =	sadd.s32 $0x800, s30  }
0x77: {  	[hbm4b:s28+s2] =	stream.linear.scatter [tilespmem:s15], [sflag:$0x6], $0x4000, $0x38;
	[tilespmem:$0x17500] =	vst v63  }
0x78: {  	_ =	swait.ge [sflag:s6], $0x4000  }
0x79: {  	[sflag:s6] =	ssyncset.done $0x0  }
0x7a: {  	[sflag:s6] =	ssyncadd.s32 $0xFFFFC000  }
0x7b: {  	s30 =	smin.u32 s24, $0x29;
	_ =	swait.ge [sflag:s21], $0x4000  }
0x7c: {  	s28 =	sshll.u32 s30, $0x7;
	[sflag:s21] =	ssyncset.done $0x0  }
0x7d: {  	p0 =	sne.s32 s25, $0x16800;
	s28 =	sadd.s32 $0x1D00, s28;
	[sflag:s21] =	ssyncadd.s32 $0xFFFFC000  }
0x7e: {  	[tilespmem:s15], [sflag:$0x4] =	stream.indirect.gather [hbm4b:s3+s7], $0x80, s28, s7, $0xb8;
	[tilespmem:$0x17500] =	vst v63  }
.Ltmp1:
0x7f: {  	s31 =	rddreg [dreg:$0x6];
	(pc) =	sbr.rel @p0 .LBB2_4-.Ltmp1, $4  }
0x80: {  	s26 =	sadd.s32 s26, s31  }
0x81: {  	[hbm4b:s26+s2] =	stream.linear.scatter [tilespmem:s17], [sflag:$0x6], $0x4000, $0x38;
	[tilespmem:$0x17500] =	vst v63  }
0x82: {  	_ =	swait.ge [sflag:s6], $0x4000  }
0x83: {  	s25 =	sadd.s32 $0x2800, s25;
	[sflag:s6] =	ssyncset.done $0x0  }
0x84: {  	[sflag:s6] =	ssyncadd.s32 $0xFFFFC000  }
0x85: {  	_ =	swait.ge [sflag:s16], $0x4000  }
0x86: {  	[sflag:s16] =	ssyncset.done $0x0  }
0x87: {  	[sflag:s16] =	ssyncadd.s32 $0xFFFFC000  }
0x88: {  	_ =	swait.ge [sflag:s18], $0x4000  }
0x89: {  	[sflag:s18] =	ssyncset.done $0x0  }
0x8a: {  	s22 =	sadd.s32 $0x1, s22;
	[sflag:s18] =	ssyncadd.s32 $0xFFFFC000  }
0x8b: {  	p0 =	sne.s32 s22, s5;
	_ =	swait.ge [sflag:s19], $0x4000  }
.Ltmp2:
0x8c: {  	[sflag:s19] =	ssyncset.done $0x0;
	(pc) =	sbr.rel @p0 .LBB2_1-.Ltmp2, $4  }
0x8d: {  	[sflag:s19] =	ssyncadd.s32 $0xFFFFC000  }
0x8e: {  	_ =	swait.ge [sflag:s20], $0x4000  }
0x8f: {  	[sflag:s20] =	ssyncset.done $0x0  }
0x90: {  	[sflag:s20] =	ssyncadd.s32 $0xFFFFC000  }
0x91: {  	_ =	sfence.sel $0x180000  }
0x92: {  	[bflag:$0x0] =	sbarrier.arrive $0xFFFF  }
0x93: {  	p0 =	sne.s32 s1, $0x0;
	_ =	strace $0x90000047  }
0x94: {  	s0 =	sadd.s32 @!p0 $0x100000, s0;
	[bflag:$0x2] =	sbarrier.arrive $0xFFFF  }
0x95: {  	[sflag:s0] =	ssyncadd.tile.s32 @!p0 $0x1;
	_ =	shalt  }
.Lfunc_end2:
_tile_overlayer_lowered:
.L_overlay_start_2:
0x96: {  	(tag) =	ssettag $0x2  }
0x97: {  	s0 =	rddreg [dreg:$0x0];
	s2 =	stileid.u32  }
0x98: {  	s1 =	rddreg [dreg:$0x1];
	p0 =	sne.s32 s2, $0x0  }
0x99: {  	s3 =	rddreg [dreg:$0x2];
	[bflag:$0x3] =	sbarrier.arrive $0xFFFF;
	s2 =	simm.s32 @!p0 $0x1C06  }
0x9a: {  	[timem:s3], [sflag:s2] =	dma.local @!p0 [hbm:s0], s1  }
0x9b: {  	s0 =	simm.s32 @!p0 $0x6  }
0x9c: {  	_ =	swait.ge @!p0 [sflag:s0], s1  }
0x9d: {  	s1 =	ssub.s32 @!p0 $0x0, s1;
	[sflag:s0] =	ssyncset.done @!p0 $0x0  }
0x9e: {  	[sflag:s0] =	ssyncadd.s32 @!p0 s1  }
0x9f: {  	[bflag:$0x3] =	sbarrier.arrive $0xFFFF  }
0xa0: {  	_ =	shalt  }

</sc_bundles>
